<compile_context>
chip_gen: v7x
topology: tpu7x:2x2x1
jax: 0.10.2.dev20260603
libtpu: 0.0.44.dev20260713+nightly
codegen_flags: <defaults>
</compile_context>

<pallas_src>
import jax
import jax.numpy as jnp
from jax import lax
from jax.experimental import pallas as pl
from jax.experimental.pallas import tpu as pltpu
from jax.experimental.pallas import tpu_sc as plsc

D = 16
NC = 2
NS = 16
NW = NC * NS
CH = 3200


S = 124928
NFB = 61
TBW = 2048


def _tc_table_body(x0, x1, x2, x3, x4, x5, x6, x7, xt, y_ref):
    i = pl.program_id(0)
    xs = (x0, x1, x2, x3, x4, x5, x6, x7)

    @pl.when(i < NFB)
    def _():
        for r in range(8):
            y_ref[:, pl.ds(r * D, D)] = xs[r][...].T

    @pl.when(i == NFB)
    def _():
        x = xt[...]
        y_ref[pl.ds(0, TBW // 8), :] = (
            x.reshape(16, TBW // 8, 8).transpose(1, 2, 0)
            .reshape(TBW // 8, 128))


def _tc_out_body(x_ref, y_ref):
    y_ref[...] = x_ref[...].T.reshape(8, D, 4096)


def _sc_gather_body(table_hbm, idx_hbm, out_hbm, idx_v, r0, r1, gs0, gs1,
                    os0, os1):
    n_per_w = idx_hbm.shape[0] // NW
    n_chunks = n_per_w // CH
    wid = lax.axis_index("s") * NC + lax.axis_index("c")
    base = wid * n_per_w

    pltpu.sync_copy(idx_hbm.at[pl.ds(base, n_per_w)], idx_v)

    def g(k, rbuf, sem):
        pltpu.async_copy(table_hbm.at[idx_v.at[pl.ds(k * CH, CH)]], rbuf, sem)

    def gwait(rbuf, sem):
        pltpu.make_async_copy(table_hbm.at[idx_v.at[pl.ds(0, CH)]], rbuf,
                              sem).wait()

    def put(k, rbuf, sem):
        pltpu.async_copy(rbuf, out_hbm.at[pl.ds(base + k * CH, CH)], sem)

    def pwait(rbuf, sem):
        pltpu.make_async_copy(rbuf, out_hbm.at[pl.ds(0, CH)], sem).wait()

    g(0, r0, gs0)
    g(1, r1, gs1)

    def step(i, carry):
        k0 = 2 * i
        gwait(r0, gs0)
        put(k0, r0, os0)
        pwait(r0, os0)

        @pl.when(k0 + 2 < n_chunks)
        def _():
            g(k0 + 2, r0, gs0)

        gwait(r1, gs1)
        put(k0 + 1, r1, os1)
        pwait(r1, os1)

        @pl.when(k0 + 3 < n_chunks)
        def _():
            g(k0 + 3, r1, gs1)

        return carry

    lax.fori_loop(0, n_chunks // 2, step, 0)


def kernel(embedding, mb_feats):
    batch, hist = mb_feats.shape
    n_rows = embedding.shape[0]
    n_idx = batch * hist
    trows = n_rows * D // 128
    i_flat = (mb_feats.reshape(batch, hist // 8, 8).transpose(1, 0, 2)
              .reshape(n_idx))
    idx_p = jnp.where(i_flat < 8 * S, (i_flat % S) * 8 + i_flat // S, i_flat)

    emb_t = embedding.T
    fast_specs = [
        pl.BlockSpec((D, TBW), lambda i, r=r: (0, jnp.minimum(i, NFB - 1)
                                               + r * NFB))
        for r in range(8)
    ]
    tail_spec = pl.BlockSpec((D, TBW), lambda i: (0, 8 * NFB))
    table_lin = pl.pallas_call(
        _tc_table_body,
        grid=(NFB + 1,),
        in_specs=fast_specs + [tail_spec],
        out_specs=pl.BlockSpec((TBW, 128), lambda i: (i, 0)),
        out_shape=jax.ShapeDtypeStruct((trows, 128), jnp.float32),
    )(*([emb_t] * 9))

    mesh = plsc.VectorSubcoreMesh(core_axis_name="c", subcore_axis_name="s")
    rows = pl.kernel(
        _sc_gather_body,
        out_type=jax.ShapeDtypeStruct((n_idx, D), jnp.float32),
        mesh=mesh,
        scratch_types=[
            pltpu.VMEM((n_idx // NW,), jnp.int32),
            pltpu.VMEM((CH, D), jnp.float32),
            pltpu.VMEM((CH, D), jnp.float32),
            pltpu.SemaphoreType.DMA,
            pltpu.SemaphoreType.DMA,
            pltpu.SemaphoreType.DMA,
            pltpu.SemaphoreType.DMA,
        ],
        compiler_params=pltpu.CompilerParams(use_tc_tiling_on_sc=False),
    )(table_lin.reshape(n_rows, D), idx_p)

    out_t = pl.pallas_call(
        _tc_out_body,
        grid=(hist // 8,),
        in_specs=[pl.BlockSpec((batch, 128), lambda i: (i, 0))],
        out_specs=pl.BlockSpec((8, D, batch), lambda i: (i, 0, 0)),
        out_shape=jax.ShapeDtypeStruct((hist, D, batch), jnp.float32),
    )(rows.reshape(n_idx * D // 128, 128))

    return lax.stop_gradient(out_t.transpose(2, 0, 1))

# --- scband reference (transcript-rebuilt; emitter-appended) ---
"""Pipeline reference for scband-fixed-embedding-47459388621439 (READ-ONLY COPY).

The authoritative reference and input builder live on the scoring server;
editing this copy changes nothing except your own understanding.
"""

import jax, jax.numpy as jnp
import numpy as np

NUM_IN_FEATS = 1000000
NUM_OUT_FEATS = 16
BATCH = 4096
HIST = 200


def _make_fixed_table():
    # Faithful reproduction of the torch sinusoidal table construction.
    x = np.arange(0.0, float(NUM_IN_FEATS), dtype=np.float64)[:, None]
    m = np.arange(0.0, float(NUM_OUT_FEATS), 2.0, dtype=np.float64)
    m = np.exp(m * -(np.log(10000.0) / NUM_OUT_FEATS))
    emb = np.zeros((NUM_IN_FEATS, NUM_OUT_FEATS), dtype=np.float32)
    emb[:, 0::2] = np.sin(x * m).astype(np.float32)
    emb[:, 1::2] = np.cos(x * m).astype(np.float32)
    return jnp.asarray(emb)


def setup_inputs(seed: int = 0) -> dict:
    key = jax.random.key(seed)
    mb_feats = jax.random.randint(key, (BATCH, HIST), 0, NUM_IN_FEATS, dtype=jnp.int32)
    embedding = _make_fixed_table()
    return {"embedding": embedding, "mb_feats": mb_feats}


def reference(embedding, mb_feats):
    # Embedding lookup; torch .detach() == jax.lax.stop_gradient
    out = jnp.take(embedding, mb_feats, axis=0)
    return jax.lax.stop_gradient(out)

if __name__ == "__main__":
    import jax
    _d = setup_inputs()
    print(jax.jit(kernel)(*tuple(_d.values())))

</pallas_src>

<mosaic_0001>
#map = affine_map<(d0, d1) -> (0, 0)>
#map1 = affine_map<(d0, d1) -> (0)>
module attributes {stable_mosaic.version = 14 : i64} {
  func.func @_sc_gather_body(%arg0: i32, %arg1: i32, %arg2: memref<1000000x16xf32, #tpu.memory_space<hbm>>, %arg3: memref<819200xi32, #tpu.memory_space<hbm>>, %arg4: memref<819200x16xf32, #tpu.memory_space<hbm>>, %arg5: memref<25600xi32, #tpu.memory_space<vmem>>, %arg6: memref<3200x16xf32, #tpu.memory_space<vmem>>, %arg7: memref<3200x16xf32, #tpu.memory_space<vmem>>, %arg8: memref<!tpu.dma_semaphore, #tpu.memory_space<semaphore_mem>>, %arg9: memref<!tpu.dma_semaphore, #tpu.memory_space<semaphore_mem>>, %arg10: memref<!tpu.dma_semaphore, #tpu.memory_space<semaphore_mem>>, %arg11: memref<!tpu.dma_semaphore, #tpu.memory_space<semaphore_mem>>) attributes {dimension_semantics = [#tpu.dimension_semantics<core_parallel>, #tpu.dimension_semantics<subcore_parallel>], iteration_bounds = array<i64: 2, 16>, scalar_prefetch = 0 : i64, scratch_operands = 7 : i64, tpu.core_type = #tpu.core_type<sc_vector_subcore>, window_params = [{transform_indices = #map}, {transform_indices = #map1}, {transform_indices = #map}]} {
    %mul3A = arith.constant 2 : i32
    %mul3A_0 = arith.muli %arg1, %mul3A : i32
    %add3A = arith.addi %mul3A_0, %arg0 : i32
    %mul3A_1 = arith.constant 25600 : i32
    %mul3A_2 = arith.muli %add3A, %mul3A_1 : i32
    "tpu.region"() ({
      %run_scoped3A = tpu.sem_alloc : memref<!tpu.dma_semaphore, #tpu.memory_space<semaphore_mem>>
      %dma_start3A_17 = tpu.memref_slice %arg3[%mul3A_2] : memref<819200xi32, #tpu.memory_space<hbm>> -> memref<25600xi32, #tpu.memory_space<hbm>>
      %dma_start3A_18 = tpu.memref_slice %arg3[%mul3A_2] : memref<819200xi32, #tpu.memory_space<hbm>> -> memref<25600xi32, #tpu.memory_space<hbm>>
      tpu.enqueue_dma source(%dma_start3A_18 : memref<25600xi32, #tpu.memory_space<hbm>>) target(%arg5 : memref<25600xi32, #tpu.memory_space<vmem>>) target_semaphore(%run_scoped3A : memref<!tpu.dma_semaphore, #tpu.memory_space<semaphore_mem>>)
      %dma_wait3A = tpu.memref_slice %arg3[%mul3A_2] : memref<819200xi32, #tpu.memory_space<hbm>> -> memref<25600xi32, #tpu.memory_space<hbm>>
      %dma_wait3A_19 = tpu.memref_slice %arg3[%mul3A_2] : memref<819200xi32, #tpu.memory_space<hbm>> -> memref<25600xi32, #tpu.memory_space<hbm>>
      tpu.wait_dma2 semaphore(%run_scoped3A : memref<!tpu.dma_semaphore, #tpu.memory_space<semaphore_mem>>) src(%dma_wait3A_19 : memref<25600xi32, #tpu.memory_space<hbm>>) dst(%arg5 : memref<25600xi32, #tpu.memory_space<vmem>>)
      tpu.yield
    }) : () -> ()
    %dma_start3A = arith.constant 0 : i32
    %dma_start3A_3 = tpu.memref_slice %arg5[%dma_start3A] : memref<25600xi32, #tpu.memory_space<vmem>> -> memref<3200xi32, #tpu.memory_space<vmem>>
    %dma_start3A_4 = arith.constant 0 : i32
    %dma_start3A_5 = arith.constant 0 : i32
    %dma_start3A_6 = tpu.memref_slice %arg2[%dma_start3A_4, %dma_start3A_5] : memref<1000000x16xf32, #tpu.memory_space<hbm>> -> memref<1000000x16xf32, #tpu.memory_space<hbm>>
    tpu.enqueue_indirect_dma source(%dma_start3A_6 : memref<1000000x16xf32, #tpu.memory_space<hbm>>) target(%arg6 : memref<3200x16xf32, #tpu.memory_space<vmem>>) offsets(%dma_start3A_3 : memref<3200xi32, #tpu.memory_space<vmem>>) semaphore(%arg8 : memref<!tpu.dma_semaphore, #tpu.memory_space<semaphore_mem>>)
    %dma_start3A_7 = arith.constant 3200 : i32
    %dma_start3A_8 = tpu.memref_slice %arg5[%dma_start3A_7] : memref<25600xi32, #tpu.memory_space<vmem>> -> memref<3200xi32, #tpu.memory_space<vmem>>
    %dma_start3A_9 = arith.constant 0 : i32
    %dma_start3A_10 = arith.constant 0 : i32
    %dma_start3A_11 = tpu.memref_slice %arg2[%dma_start3A_9, %dma_start3A_10] : memref<1000000x16xf32, #tpu.memory_space<hbm>> -> memref<1000000x16xf32, #tpu.memory_space<hbm>>
    tpu.enqueue_indirect_dma source(%dma_start3A_11 : memref<1000000x16xf32, #tpu.memory_space<hbm>>) target(%arg7 : memref<3200x16xf32, #tpu.memory_space<vmem>>) offsets(%dma_start3A_8 : memref<3200xi32, #tpu.memory_space<vmem>>) semaphore(%arg9 : memref<!tpu.dma_semaphore, #tpu.memory_space<semaphore_mem>>)
    %scan3A = arith.constant 0 : i32
    %scan3A_12 = arith.constant 0 : i32
    %scan3A_13 = arith.constant 4 : i32
    %scan3A_14 = arith.addi %scan3A_12, %scan3A_13 : i32
    %scan3A_15 = arith.constant 1 : i32
    scf.for %scan3A_17 = %scan3A_12 to %scan3A_14 step %scan3A_15  : i32 {
      %mul3A_18 = arith.constant 2 : i32
      %mul3A_19 = arith.muli %mul3A_18, %scan3A_17 : i32
      %dma_wait3A = arith.constant 0 : i32
      %dma_wait3A_20 = tpu.memref_slice %arg5[%dma_wait3A] : memref<25600xi32, #tpu.memory_space<vmem>> -> memref<3200xi32, #tpu.memory_space<vmem>>
      %dma_wait3A_21 = arith.constant 0 : i32
      %dma_wait3A_22 = arith.constant 0 : i32
      %dma_wait3A_23 = tpu.memref_slice %arg2[%dma_wait3A_21, %dma_wait3A_22] : memref<1000000x16xf32, #tpu.memory_space<hbm>> -> memref<1000000x16xf32, #tpu.memory_space<hbm>>
      tpu.wait_indirect_dma semaphore(%arg8 : memref<!tpu.dma_semaphore, #tpu.memory_space<semaphore_mem>>) src(%dma_wait3A_23 : memref<1000000x16xf32, #tpu.memory_space<hbm>>) dst(%arg6 : memref<3200x16xf32, #tpu.memory_space<vmem>>)
      %mul3A_24 = arith.constant 3200 : i32
      %mul3A_25 = arith.muli %mul3A_19, %mul3A_24 : i32
      %add3A_26 = arith.addi %mul3A_2, %mul3A_25 : i32
      %dma_start3A_27 = arith.constant 0 : i32
      %dma_start3A_28 = tpu.memref_slice %arg4[%add3A_26, %dma_start3A_27] : memref<819200x16xf32, #tpu.memory_space<hbm>> -> memref<3200x16xf32, #tpu.memory_space<hbm>>
      %dma_start3A_29 = arith.constant 0 : i32
      %dma_start3A_30 = tpu.memref_slice %arg4[%add3A_26, %dma_start3A_29] : memref<819200x16xf32, #tpu.memory_space<hbm>> -> memref<3200x16xf32, #tpu.memory_space<hbm>>
      tpu.enqueue_dma source(%arg6 : memref<3200x16xf32, #tpu.memory_space<vmem>>) target(%dma_start3A_30 : memref<3200x16xf32, #tpu.memory_space<hbm>>) target_semaphore(%arg10 : memref<!tpu.dma_semaphore, #tpu.memory_space<semaphore_mem>>)
      %dma_wait3A_31 = arith.constant 0 : i32
      %dma_wait3A_32 = arith.constant 0 : i32
      %dma_wait3A_33 = tpu.memref_slice %arg4[%dma_wait3A_31, %dma_wait3A_32] : memref<819200x16xf32, #tpu.memory_space<hbm>> -> memref<3200x16xf32, #tpu.memory_space<hbm>>
      %dma_wait3A_34 = arith.constant 0 : i32
      %dma_wait3A_35 = arith.constant 0 : i32
      %dma_wait3A_36 = tpu.memref_slice %arg4[%dma_wait3A_34, %dma_wait3A_35] : memref<819200x16xf32, #tpu.memory_space<hbm>> -> memref<3200x16xf32, #tpu.memory_space<hbm>>
      tpu.wait_dma2 semaphore(%arg10 : memref<!tpu.dma_semaphore, #tpu.memory_space<semaphore_mem>>) src(%arg6 : memref<3200x16xf32, #tpu.memory_space<vmem>>) dst(%dma_wait3A_36 : memref<3200x16xf32, #tpu.memory_space<hbm>>)
      %add3A_37 = arith.constant 2 : i32
      %add3A_38 = arith.addi %mul3A_19, %add3A_37 : i32
      %lt3A = arith.constant 8 : i32
      %lt3A_39 = arith.cmpi slt, %add3A_38, %lt3A : i32
      %convert_element_type3A = arith.extui %lt3A_39 : i1 to i32
      %cond3A = arith.constant 0 : i32
      %cond3A_40 = arith.cmpi ne, %convert_element_type3A, %cond3A : i32
      scf.if %cond3A_40 {
        %add3A_68 = arith.constant 2 : i32
        %add3A_69 = arith.addi %mul3A_19, %add3A_68 : i32
        %mul3A_70 = arith.constant 3200 : i32
        %mul3A_71 = arith.muli %add3A_69, %mul3A_70 : i32
        %dma_start3A_72 = tpu.memref_slice %arg5[%mul3A_71] : memref<25600xi32, #tpu.memory_space<vmem>> -> memref<3200xi32, #tpu.memory_space<vmem>>
        %dma_start3A_73 = arith.constant 0 : i32
        %dma_start3A_74 = arith.constant 0 : i32
        %dma_start3A_75 = tpu.memref_slice %arg2[%dma_start3A_73, %dma_start3A_74] : memref<1000000x16xf32, #tpu.memory_space<hbm>> -> memref<1000000x16xf32, #tpu.memory_space<hbm>>
        tpu.enqueue_indirect_dma source(%dma_start3A_75 : memref<1000000x16xf32, #tpu.memory_space<hbm>>) target(%arg6 : memref<3200x16xf32, #tpu.memory_space<vmem>>) offsets(%dma_start3A_72 : memref<3200xi32, #tpu.memory_space<vmem>>) semaphore(%arg8 : memref<!tpu.dma_semaphore, #tpu.memory_space<semaphore_mem>>)
      } else {
      }
      %dma_wait3A_41 = arith.constant 0 : i32
      %dma_wait3A_42 = tpu.memref_slice %arg5[%dma_wait3A_41] : memref<25600xi32, #tpu.memory_space<vmem>> -> memref<3200xi32, #tpu.memory_space<vmem>>
      %dma_wait3A_43 = arith.constant 0 : i32
      %dma_wait3A_44 = arith.constant 0 : i32
      %dma_wait3A_45 = tpu.memref_slice %arg2[%dma_wait3A_43, %dma_wait3A_44] : memref<1000000x16xf32, #tpu.memory_space<hbm>> -> memref<1000000x16xf32, #tpu.memory_space<hbm>>
      tpu.wait_indirect_dma semaphore(%arg9 : memref<!tpu.dma_semaphore, #tpu.memory_space<semaphore_mem>>) src(%dma_wait3A_45 : memref<1000000x16xf32, #tpu.memory_space<hbm>>) dst(%arg7 : memref<3200x16xf32, #tpu.memory_space<vmem>>)
      %add3A_46 = arith.constant 1 : i32
      %add3A_47 = arith.addi %mul3A_19, %add3A_46 : i32
      %mul3A_48 = arith.constant 3200 : i32
      %mul3A_49 = arith.muli %add3A_47, %mul3A_48 : i32
      %add3A_50 = arith.addi %mul3A_2, %mul3A_49 : i32
      %dma_start3A_51 = arith.constant 0 : i32
      %dma_start3A_52 = tpu.memref_slice %arg4[%add3A_50, %dma_start3A_51] : memref<819200x16xf32, #tpu.memory_space<hbm>> -> memref<3200x16xf32, #tpu.memory_space<hbm>>
      %dma_start3A_53 = arith.constant 0 : i32
      %dma_start3A_54 = tpu.memref_slice %arg4[%add3A_50, %dma_start3A_53] : memref<819200x16xf32, #tpu.memory_space<hbm>> -> memref<3200x16xf32, #tpu.memory_space<hbm>>
      tpu.enqueue_dma source(%arg7 : memref<3200x16xf32, #tpu.memory_space<vmem>>) target(%dma_start3A_54 : memref<3200x16xf32, #tpu.memory_space<hbm>>) target_semaphore(%arg11 : memref<!tpu.dma_semaphore, #tpu.memory_space<semaphore_mem>>)
      %dma_wait3A_55 = arith.constant 0 : i32
      %dma_wait3A_56 = arith.constant 0 : i32
      %dma_wait3A_57 = tpu.memref_slice %arg4[%dma_wait3A_55, %dma_wait3A_56] : memref<819200x16xf32, #tpu.memory_space<hbm>> -> memref<3200x16xf32, #tpu.memory_space<hbm>>
      %dma_wait3A_58 = arith.constant 0 : i32
      %dma_wait3A_59 = arith.constant 0 : i32
      %dma_wait3A_60 = tpu.memref_slice %arg4[%dma_wait3A_58, %dma_wait3A_59] : memref<819200x16xf32, #tpu.memory_space<hbm>> -> memref<3200x16xf32, #tpu.memory_space<hbm>>
      tpu.wait_dma2 semaphore(%arg11 : memref<!tpu.dma_semaphore, #tpu.memory_space<semaphore_mem>>) src(%arg7 : memref<3200x16xf32, #tpu.memory_space<vmem>>) dst(%dma_wait3A_60 : memref<3200x16xf32, #tpu.memory_space<hbm>>)
      %add3A_61 = arith.constant 3 : i32
      %add3A_62 = arith.addi %mul3A_19, %add3A_61 : i32
      %lt3A_63 = arith.constant 8 : i32
      %lt3A_64 = arith.cmpi slt, %add3A_62, %lt3A_63 : i32
      %convert_element_type3A_65 = arith.extui %lt3A_64 : i1 to i32
      %cond3A_66 = arith.constant 0 : i32
      %cond3A_67 = arith.cmpi ne, %convert_element_type3A_65, %cond3A_66 : i32
      scf.if %cond3A_67 {
        %add3A_68 = arith.constant 3 : i32
        %add3A_69 = arith.addi %mul3A_19, %add3A_68 : i32
        %mul3A_70 = arith.constant 3200 : i32
        %mul3A_71 = arith.muli %add3A_69, %mul3A_70 : i32
        %dma_start3A_72 = tpu.memref_slice %arg5[%mul3A_71] : memref<25600xi32, #tpu.memory_space<vmem>> -> memref<3200xi32, #tpu.memory_space<vmem>>
        %dma_start3A_73 = arith.constant 0 : i32
        %dma_start3A_74 = arith.constant 0 : i32
        %dma_start3A_75 = tpu.memref_slice %arg2[%dma_start3A_73, %dma_start3A_74] : memref<1000000x16xf32, #tpu.memory_space<hbm>> -> memref<1000000x16xf32, #tpu.memory_space<hbm>>
        tpu.enqueue_indirect_dma source(%dma_start3A_75 : memref<1000000x16xf32, #tpu.memory_space<hbm>>) target(%arg7 : memref<3200x16xf32, #tpu.memory_space<vmem>>) offsets(%dma_start3A_72 : memref<3200xi32, #tpu.memory_space<vmem>>) semaphore(%arg9 : memref<!tpu.dma_semaphore, #tpu.memory_space<semaphore_mem>>)
      } else {
      }
    }
    %scan3A_16 = arith.constant 4 : i32
    return
  }
}

module attributes {stable_mosaic.version = 14 : i64} {
  func.func @_tc_table_body(%arg0: i32, %arg1: memref<16x2048xf32, #tpu.memory_space<vmem>>, %arg2: memref<16x2048xf32, #tpu.memory_space<vmem>>, %arg3: memref<16x2048xf32, #tpu.memory_space<vmem>>, %arg4: memref<16x2048xf32, #tpu.memory_space<vmem>>, %arg5: memref<16x2048xf32, #tpu.memory_space<vmem>>, %arg6: memref<16x2048xf32, #tpu.memory_space<vmem>>, %arg7: memref<16x2048xf32, #tpu.memory_space<vmem>>, %arg8: memref<16x2048xf32, #tpu.memory_space<vmem>>, %arg9: memref<16x2048xf32, #tpu.memory_space<vmem>>, %arg10: memref<2048x128xf32, #tpu.memory_space<vmem>>) attributes {dimension_semantics = [#tpu.dimension_semantics<arbitrary>], iteration_bounds = array<i64: 62>, scalar_prefetch = 0 : i64, scratch_operands = 0 : i64, tpu.core_type = #tpu.core_type<tc>, window_params = [{transform_indices = @transform_0, window_bounds = array<i64: 16, 2048>}, {transform_indices = @transform_1, window_bounds = array<i64: 16, 2048>}, {transform_indices = @transform_2, window_bounds = array<i64: 16, 2048>}, {transform_indices = @transform_3, window_bounds = array<i64: 16, 2048>}, {transform_indices = @transform_4, window_bounds = array<i64: 16, 2048>}, {transform_indices = @transform_5, window_bounds = array<i64: 16, 2048>}, {transform_indices = @transform_6, window_bounds = array<i64: 16, 2048>}, {transform_indices = @transform_7, window_bounds = array<i64: 16, 2048>}, {transform_indices = @transform_8, window_bounds = array<i64: 16, 2048>}, {transform_indices = @transform_9, window_bounds = array<i64: 2048, 128>}]} {
    %lt3A = arith.constant 61 : i32
    %lt3A_0 = arith.cmpi slt, %arg0, %lt3A : i32
    %convert_element_type3A = arith.extui %lt3A_0 : i1 to i32
    %cond3A = arith.constant 0 : i32
    %cond3A_1 = arith.cmpi ne, %convert_element_type3A, %cond3A : i32
    scf.if %cond3A_1 {
      %get3A = arith.constant 0 : index
      %get3A_6 = arith.constant 0 : index
      %get3A_7 = vector.load %arg1[%get3A, %get3A_6] : memref<16x2048xf32, #tpu.memory_space<vmem>>, vector<16x2048xf32>
      %transpose3A = tpu.transpose %get3A_7, [1, 0] : vector<16x2048xf32> -> vector<2048x16xf32>
      %swap3A = arith.constant 0 : index
      %swap3A_8 = arith.constant 0 : index
      %swap3A_9 = vector.load %arg10[%swap3A, %swap3A_8] : memref<2048x128xf32, #tpu.memory_space<vmem>>, vector<2048x16xf32>
      tpu.vector_store %arg10[%swap3A, %swap3A_8], %transpose3A {strides = array<i32>} : memref<2048x128xf32, #tpu.memory_space<vmem>>, vector<2048x16xf32>,
      %get3A_10 = arith.constant 0 : index
      %get3A_11 = arith.constant 0 : index
      %get3A_12 = vector.load %arg2[%get3A_10, %get3A_11] : memref<16x2048xf32, #tpu.memory_space<vmem>>, vector<16x2048xf32>
      %transpose3A_13 = tpu.transpose %get3A_12, [1, 0] : vector<16x2048xf32> -> vector<2048x16xf32>
      %swap3A_14 = arith.constant 0 : index
      %swap3A_15 = arith.constant 16 : index
      %swap3A_16 = vector.load %arg10[%swap3A_14, %swap3A_15] : memref<2048x128xf32, #tpu.memory_space<vmem>>, vector<2048x16xf32>
      tpu.vector_store %arg10[%swap3A_14, %swap3A_15], %transpose3A_13 {strides = array<i32>} : memref<2048x128xf32, #tpu.memory_space<vmem>>, vector<2048x16xf32>,
      %get3A_17 = arith.constant 0 : index
      %get3A_18 = arith.constant 0 : index
      %get3A_19 = vector.load %arg3[%get3A_17, %get3A_18] : memref<16x2048xf32, #tpu.memory_space<vmem>>, vector<16x2048xf32>
      %transpose3A_20 = tpu.transpose %get3A_19, [1, 0] : vector<16x2048xf32> -> vector<2048x16xf32>
      %swap3A_21 = arith.constant 0 : index
      %swap3A_22 = arith.constant 32 : index
      %swap3A_23 = vector.load %arg10[%swap3A_21, %swap3A_22] : memref<2048x128xf32, #tpu.memory_space<vmem>>, vector<2048x16xf32>
      tpu.vector_store %arg10[%swap3A_21, %swap3A_22], %transpose3A_20 {strides = array<i32>} : memref<2048x128xf32, #tpu.memory_space<vmem>>, vector<2048x16xf32>,
      %get3A_24 = arith.constant 0 : index
      %get3A_25 = arith.constant 0 : index
      %get3A_26 = vector.load %arg4[%get3A_24, %get3A_25] : memref<16x2048xf32, #tpu.memory_space<vmem>>, vector<16x2048xf32>
      %transpose3A_27 = tpu.transpose %get3A_26, [1, 0] : vector<16x2048xf32> -> vector<2048x16xf32>
      %swap3A_28 = arith.constant 0 : index
      %swap3A_29 = arith.constant 48 : index
      %swap3A_30 = vector.load %arg10[%swap3A_28, %swap3A_29] : memref<2048x128xf32, #tpu.memory_space<vmem>>, vector<2048x16xf32>
      tpu.vector_store %arg10[%swap3A_28, %swap3A_29], %transpose3A_27 {strides = array<i32>} : memref<2048x128xf32, #tpu.memory_space<vmem>>, vector<2048x16xf32>,
      %get3A_31 = arith.constant 0 : index
      %get3A_32 = arith.constant 0 : index
      %get3A_33 = vector.load %arg5[%get3A_31, %get3A_32] : memref<16x2048xf32, #tpu.memory_space<vmem>>, vector<16x2048xf32>
      %transpose3A_34 = tpu.transpose %get3A_33, [1, 0] : vector<16x2048xf32> -> vector<2048x16xf32>
      %swap3A_35 = arith.constant 0 : index
      %swap3A_36 = arith.constant 64 : index
      %swap3A_37 = vector.load %arg10[%swap3A_35, %swap3A_36] : memref<2048x128xf32, #tpu.memory_space<vmem>>, vector<2048x16xf32>
      tpu.vector_store %arg10[%swap3A_35, %swap3A_36], %transpose3A_34 {strides = array<i32>} : memref<2048x128xf32, #tpu.memory_space<vmem>>, vector<2048x16xf32>,
      %get3A_38 = arith.constant 0 : index
      %get3A_39 = arith.constant 0 : index
      %get3A_40 = vector.load %arg6[%get3A_38, %get3A_39] : memref<16x2048xf32, #tpu.memory_space<vmem>>, vector<16x2048xf32>
      %transpose3A_41 = tpu.transpose %get3A_40, [1, 0] : vector<16x2048xf32> -> vector<2048x16xf32>
      %swap3A_42 = arith.constant 0 : index
      %swap3A_43 = arith.constant 80 : index
      %swap3A_44 = vector.load %arg10[%swap3A_42, %swap3A_43] : memref<2048x128xf32, #tpu.memory_space<vmem>>, vector<2048x16xf32>
      tpu.vector_store %arg10[%swap3A_42, %swap3A_43], %transpose3A_41 {strides = array<i32>} : memref<2048x128xf32, #tpu.memory_space<vmem>>, vector<2048x16xf32>,
      %get3A_45 = arith.constant 0 : index
      %get3A_46 = arith.constant 0 : index
      %get3A_47 = vector.load %arg7[%get3A_45, %get3A_46] : memref<16x2048xf32, #tpu.memory_space<vmem>>, vector<16x2048xf32>
      %transpose3A_48 = tpu.transpose %get3A_47, [1, 0] : vector<16x2048xf32> -> vector<2048x16xf32>
      %swap3A_49 = arith.constant 0 : index
      %swap3A_50 = arith.constant 96 : index
      %swap3A_51 = vector.load %arg10[%swap3A_49, %swap3A_50] : memref<2048x128xf32, #tpu.memory_space<vmem>>, vector<2048x16xf32>
      tpu.vector_store %arg10[%swap3A_49, %swap3A_50], %transpose3A_48 {strides = array<i32>} : memref<2048x128xf32, #tpu.memory_space<vmem>>, vector<2048x16xf32>,
      %get3A_52 = arith.constant 0 : index
      %get3A_53 = arith.constant 0 : index
      %get3A_54 = vector.load %arg8[%get3A_52, %get3A_53] : memref<16x2048xf32, #tpu.memory_space<vmem>>, vector<16x2048xf32>
      %transpose3A_55 = tpu.transpose %get3A_54, [1, 0] : vector<16x2048xf32> -> vector<2048x16xf32>
      %swap3A_56 = arith.constant 0 : index
      %swap3A_57 = arith.constant 112 : index
      %swap3A_58 = vector.load %arg10[%swap3A_56, %swap3A_57] : memref<2048x128xf32, #tpu.memory_space<vmem>>, vector<2048x16xf32>
      tpu.vector_store %arg10[%swap3A_56, %swap3A_57], %transpose3A_55 {strides = array<i32>} : memref<2048x128xf32, #tpu.memory_space<vmem>>, vector<2048x16xf32>,
    } else {
    }
    %eq3A = arith.constant 61 : i32
    %eq3A_2 = arith.cmpi eq, %arg0, %eq3A : i32
    %convert_element_type3A_3 = arith.extui %eq3A_2 : i1 to i32
    %cond3A_4 = arith.constant 0 : i32
    %cond3A_5 = arith.cmpi ne, %convert_element_type3A_3, %cond3A_4 : i32
    scf.if %cond3A_5 {
      %get3A = arith.constant 0 : index
      %get3A_6 = arith.constant 0 : index
      %get3A_7 = vector.load %arg9[%get3A, %get3A_6] : memref<16x2048xf32, #tpu.memory_space<vmem>>, vector<16x2048xf32>
      %reshape3A = vector.shape_cast %get3A_7 : vector<16x2048xf32> to vector<16x256x8xf32>
      %transpose3A = tpu.transpose %reshape3A, [1, 2, 0] : vector<16x256x8xf32> -> vector<256x8x16xf32>
      %reshape3A_8 = vector.shape_cast %transpose3A : vector<256x8x16xf32> to vector<256x128xf32>
      %swap3A = arith.constant 0 : index
      %swap3A_9 = arith.constant 0 : index
      %swap3A_10 = vector.load %arg10[%swap3A, %swap3A_9] : memref<2048x128xf32, #tpu.memory_space<vmem>>, vector<256x128xf32>
      tpu.vector_store %arg10[%swap3A, %swap3A_9], %reshape3A_8 {strides = array<i32>} : memref<2048x128xf32, #tpu.memory_space<vmem>>, vector<256x128xf32>,
    } else {
    }
    return
  }
  func.func @transform_0(%arg0: i32) -> (i32, i32) {
    %min3A = arith.constant 60 : i32
    %min3A_0 = arith.minsi %arg0, %min3A : i32
    %add3A = arith.constant 0 : i32
    %add3A_1 = arith.addi %min3A_0, %add3A : i32
    %c0_i32 = arith.constant 0 : i32
    %c0_i32_2 = arith.constant 0 : i32
    return %c0_i32, %add3A_1 : i32, i32
  }
  func.func @transform_1(%arg0: i32) -> (i32, i32) {
    %min3A = arith.constant 60 : i32
    %min3A_0 = arith.minsi %arg0, %min3A : i32
    %add3A = arith.constant 61 : i32
    %add3A_1 = arith.addi %min3A_0, %add3A : i32
    %c0_i32 = arith.constant 0 : i32
    %c0_i32_2 = arith.constant 0 : i32
    return %c0_i32, %add3A_1 : i32, i32
  }
  func.func @transform_2(%arg0: i32) -> (i32, i32) {
    %min3A = arith.constant 60 : i32
    %min3A_0 = arith.minsi %arg0, %min3A : i32
    %add3A = arith.constant 122 : i32
    %add3A_1 = arith.addi %min3A_0, %add3A : i32
    %c0_i32 = arith.constant 0 : i32
    %c0_i32_2 = arith.constant 0 : i32
    return %c0_i32, %add3A_1 : i32, i32
  }
  func.func @transform_3(%arg0: i32) -> (i32, i32) {
    %min3A = arith.constant 60 : i32
    %min3A_0 = arith.minsi %arg0, %min3A : i32
    %add3A = arith.constant 183 : i32
    %add3A_1 = arith.addi %min3A_0, %add3A : i32
    %c0_i32 = arith.constant 0 : i32
    %c0_i32_2 = arith.constant 0 : i32
    return %c0_i32, %add3A_1 : i32, i32
  }
  func.func @transform_4(%arg0: i32) -> (i32, i32) {
    %min3A = arith.constant 60 : i32
    %min3A_0 = arith.minsi %arg0, %min3A : i32
    %add3A = arith.constant 244 : i32
    %add3A_1 = arith.addi %min3A_0, %add3A : i32
    %c0_i32 = arith.constant 0 : i32
    %c0_i32_2 = arith.constant 0 : i32
    return %c0_i32, %add3A_1 : i32, i32
  }
  func.func @transform_5(%arg0: i32) -> (i32, i32) {
    %min3A = arith.constant 60 : i32
    %min3A_0 = arith.minsi %arg0, %min3A : i32
    %add3A = arith.constant 305 : i32
    %add3A_1 = arith.addi %min3A_0, %add3A : i32
    %c0_i32 = arith.constant 0 : i32
    %c0_i32_2 = arith.constant 0 : i32
    return %c0_i32, %add3A_1 : i32, i32
  }
  func.func @transform_6(%arg0: i32) -> (i32, i32) {
    %min3A = arith.constant 60 : i32
    %min3A_0 = arith.minsi %arg0, %min3A : i32
    %add3A = arith.constant 366 : i32
    %add3A_1 = arith.addi %min3A_0, %add3A : i32
    %c0_i32 = arith.constant 0 : i32
    %c0_i32_2 = arith.constant 0 : i32
    return %c0_i32, %add3A_1 : i32, i32
  }
  func.func @transform_7(%arg0: i32) -> (i32, i32) {
    %min3A = arith.constant 60 : i32
    %min3A_0 = arith.minsi %arg0, %min3A : i32
    %add3A = arith.constant 427 : i32
    %add3A_1 = arith.addi %min3A_0, %add3A : i32
    %c0_i32 = arith.constant 0 : i32
    %c0_i32_2 = arith.constant 0 : i32
    return %c0_i32, %add3A_1 : i32, i32
  }
  func.func @transform_8(%arg0: i32) -> (i32, i32) {
    %c0_i32 = arith.constant 0 : i32
    %c488_i32 = arith.constant 488 : i32
    %c0_i32_0 = arith.constant 0 : i32
    return %c0_i32, %c488_i32 : i32, i32
  }
  func.func @transform_9(%arg0: i32) -> (i32, i32) {
    %c0_i32 = arith.constant 0 : i32
    %c0_i32_0 = arith.constant 0 : i32
    return %arg0, %c0_i32 : i32, i32
  }
}

module attributes {stable_mosaic.version = 14 : i64} {
  func.func @_tc_out_body(%arg0: i32, %arg1: memref<4096x128xf32, #tpu.memory_space<vmem>>, %arg2: memref<8x16x4096xf32, #tpu.memory_space<vmem>>) attributes {dimension_semantics = [#tpu.dimension_semantics<arbitrary>], iteration_bounds = array<i64: 25>, scalar_prefetch = 0 : i64, scratch_operands = 0 : i64, tpu.core_type = #tpu.core_type<tc>, window_params = [{transform_indices = @transform_0, window_bounds = array<i64: 4096, 128>}, {transform_indices = @transform_1, window_bounds = array<i64: 8, 16, 4096>}]} {
    %get3A = arith.constant 0 : index
    %get3A_0 = arith.constant 0 : index
    %get3A_1 = vector.load %arg1[%get3A, %get3A_0] : memref<4096x128xf32, #tpu.memory_space<vmem>>, vector<4096x128xf32>
    %transpose3A = tpu.transpose %get3A_1, [1, 0] : vector<4096x128xf32> -> vector<128x4096xf32>
    %reshape3A = vector.shape_cast %transpose3A : vector<128x4096xf32> to vector<8x16x4096xf32>
    %swap3A = arith.constant 0 : index
    %swap3A_2 = arith.constant 0 : index
    %swap3A_3 = arith.constant 0 : index
    %swap3A_4 = vector.load %arg2[%swap3A, %swap3A_2, %swap3A_3] : memref<8x16x4096xf32, #tpu.memory_space<vmem>>, vector<8x16x4096xf32>
    tpu.vector_store %arg2[%swap3A, %swap3A_2, %swap3A_3], %reshape3A {strides = array<i32>} : memref<8x16x4096xf32, #tpu.memory_space<vmem>>, vector<8x16x4096xf32>,
    return
  }
  func.func @transform_0(%arg0: i32) -> (i32, i32) {
    %c0_i32 = arith.constant 0 : i32
    %c0_i32_0 = arith.constant 0 : i32
    return %arg0, %c0_i32 : i32, i32
  }
  func.func @transform_1(%arg0: i32) -> (i32, i32, i32) {
    %c0_i32 = arith.constant 0 : i32
    %c0_i32_0 = arith.constant 0 : i32
    %c0_i32_1 = arith.constant 0 : i32
    return %arg0, %c0_i32, %c0_i32_0 : i32, i32, i32
  }
}

</mosaic_0001>

<sc_bundles>
// kernel: kernel.5.cloned.1.call-start
scs
__scs_entry_jumppad:
0x0: {  	(pc) =	sbr.rel $0x88, $3  }
0x1: {  	(tag) =	ssettag $0x0;
	lr =	simm.s32 $0x1  }
0x2: {  	[smem:$0x3F9F] =	sst lr;
	_ =	strace $0xD0000000  }
0x3: {  	_ = 	snop  }
0x4: {  	_ = 	snop  }
0x5: {  	_ = 	snop  }
0x6: {  	_ = 	snop  }
0x7: {  	_ = 	snop  }
__scs_overlays_trampoline_lowered:
0x8: {  	[smem:$0x3FAE] =	sst s0  }
0x9: {  	[smem:$0x3FAF] =	sst s1  }
0xa: {  	[smem:$0x3FB0] =	sst s2  }
0xb: {  	[smem:$0x3FB1] =	sst s3  }
0xc: {  	[smem:$0x3FB2] =	sst s4  }
0xd: {  	[smem:$0x3FB3] =	sst s5  }
0xe: {  	[smem:$0x3FB4] =	sst s6  }
0xf: {  	[smem:$0x3FB5] =	sst s7  }
0x10: {  	[smem:$0x3FB6] =	sst s8  }
0x11: {  	[smem:$0x3FB7] =	sst s9;
	s0 =	simm.s32 @!p0 $0x0  }
0x12: {  	s1 =	sld [smem:$0x3F9D];
	s0 =	simm.s32 @p0 $0x1  }
0x13: {  	[smem:$0x3FB8] =	sst s0;
	s0 =	simm.s32 @!p1 $0x0  }
0x14: {  	s2 =	sld [smem:$0x3F9C];
	s0 =	simm.s32 @p1 $0x1  }
0x15: {  	[smem:$0x3FB9] =	sst s0;
	s0 =	simm.s32 @!p2 $0x0  }
0x16: {  	s3 =	sld [smem:$0x3FDB];
	s0 =	simm.s32 @p2 $0x1  }
0x17: {  	s4 =	simm.s32 $0x1BF5;
	[smem:$0x3FBB] =	sst s0  }
0x18: {  	s0 =	sld [smem:$0x3F9E];
	_ =	swait.ge [sflag:s4], $0x0  }
0x19: {  	s7 =	sld [smem:$0x3F9F]  }
0x1a: {  	s8 =	sadd.s32 $0xFFFFE003, lr  }
0x1b: {  	s9 =	sadd.s32 $0xFFFFFEF7, lr;
	s5 =	simm.s32 $0xFFFFFFFF;
	p2 =	slt.u32 s8, $0xFFFFF086  }
0x1c: {  	p1 =	slt.u32 s9, $0xF7A;
	s5 =	simm.s32 @!p2 $0x0  }
0x1d: {  	s5 =	simm.s32 @p1 $0x1;
	p0 =	seq.s32 s7, s2  }
0x1e: {  	s7 =	smul.u32 @!p0 $0xF7A, s2;
	p2 =	seq.s32 @!p0 s5, $0x0  }
0x1f: {  	s9 =	smul.u32 $0xF7A, s1;
	s8 =	simm.s32 @!p0 $0x1BF5;
	p2 =	por !p2, p0  }
0x20: {  	[sflag:s8] =	ssyncset.s32 @!p0 $0xFFFFF086;
	s6 =	sadd.s32 @!p0 s3, s7;
	s7 =	simm.s32 @!p0 $0x108  }
0x21: {  	s3 =	sadd.s32 s3, s9;
	s6 =	sadd.s32 @!p0 $0x88, s6;
	s7 =	simm.s32 @p2 $0x1082  }
0x22: {  	[simem:s7], [sflag:s8] =	dma.local @!p0 [hbm:s6], $0xF7A  }
0x23: {  	s9 =	sor.u32 $0xD0000000, s2;
	s6 =	simm.s32 $0x108;
	_ =	swait.ge @!p0 [sflag:s8], $0x0  }
0x24: {  	s3 =	sadd.s32 $0x88, s3;
	s6 =	simm.s32 @!p1 $0x1082;
	[sflag:s4] =	ssyncset.s32 $0xFFFFF086  }
0x25: {  	[simem:s6], [sflag:s4] =	dma.local [hbm:s3], $0xF7A  }
0x26: {  	[smem:$0x3F9F] =	sst s1;
	(tag) =	ssettag s2;
	_ =	strace s9  }
0x27: {  	s1 =	sld [smem:$0x3FAF]  }
0x28: {  	s2 =	sld [smem:$0x3FB0]  }
0x29: {  	s4 =	sld [smem:$0x3FB2]  }
0x2a: {  	p0 =	seq.s32 s5, $0x0;
	s5 =	sld [smem:$0x3FB3]  }
0x2b: {  	s6 =	sld [smem:$0x3FB4]  }
0x2c: {  	s7 =	sld [smem:$0x3FB5]  }
0x2d: {  	s3 =	simm.s32 $0x108;
	s8 =	sld [smem:$0x3FB6]  }
0x2e: {  	s3 =	simm.s32 @!p0 $0x1082;
	s9 =	sld [smem:$0x3FB7]  }
0x2f: {  	lr =	sadd.s32 s0, s3;
	s0 =	sld [smem:$0x3FAE]  }
0x30: {  	s3 =	sld [smem:$0x3FB1]  }
0x31: {  	[smem:$0x3FBA] =	sst s10  }
0x32: {  	s10 =	sld [smem:$0x3FB8];
	_ =	sdelay $0x3  }
0x33: {  	p0 =	seq.s32 s10, $0x1;
	s10 =	sld [smem:$0x3FBA];
	_ =	sdelay $0x3  }
0x34: {  	[smem:$0x3FBA] =	sst s10  }
0x35: {  	s10 =	sld [smem:$0x3FB9];
	_ =	sdelay $0x3  }
0x36: {  	p1 =	seq.s32 s10, $0x1;
	s10 =	sld [smem:$0x3FBA];
	_ =	sdelay $0x3  }
0x37: {  	[smem:$0x3FBA] =	sst s10  }
0x38: {  	s10 =	sld [smem:$0x3FBB]  }
0x39: {  	_ = 	snop;
	(pc) =	sbr.ind lr, $3  }
0x3a: {  	_ = 	snop  }
0x3b: {  	_ = 	snop  }
0x3c: {  	p2 =	seq.s32 s10, $0x1;
	s10 =	sld [smem:$0x3FBA]  }
0x3d: {  	_ =	shalt  }
0x3e: {  	_ =	shalt  }
0x3f: {  	_ =	shalt  }
0x40: {  	_ =	shalt  }
0x41: {  	_ =	shalt  }
0x42: {  	_ =	shalt  }
0x43: {  	_ =	shalt  }
0x44: {  	_ =	shalt  }
0x45: {  	_ =	shalt  }
0x46: {  	_ =	shalt  }
0x47: {  	_ =	shalt  }
0x48: {  	_ =	shalt  }
0x49: {  	_ =	shalt  }
0x4a: {  	_ =	shalt  }
0x4b: {  	_ =	shalt  }
0x4c: {  	_ =	shalt  }
0x4d: {  	_ =	shalt  }
0x4e: {  	_ =	shalt  }
0x4f: {  	_ =	shalt  }
0x50: {  	_ =	shalt  }
0x51: {  	_ =	shalt  }
0x52: {  	_ =	shalt  }
0x53: {  	_ =	shalt  }
0x54: {  	_ =	shalt  }
0x55: {  	_ =	shalt  }
0x56: {  	_ =	shalt  }
0x57: {  	_ =	shalt  }
0x58: {  	_ =	shalt  }
0x59: {  	_ =	shalt  }
0x5a: {  	_ =	shalt  }
0x5b: {  	_ =	shalt  }
0x5c: {  	_ =	shalt  }
0x5d: {  	_ =	shalt  }
0x5e: {  	_ =	shalt  }
0x5f: {  	_ =	shalt  }
0x60: {  	_ =	shalt  }
0x61: {  	_ =	shalt  }
0x62: {  	_ =	shalt  }
0x63: {  	_ =	shalt  }
0x64: {  	_ =	shalt  }
0x65: {  	_ =	shalt  }
0x66: {  	_ =	shalt  }
0x67: {  	_ =	shalt  }
0x68: {  	_ =	shalt  }
0x69: {  	_ =	shalt  }
0x6a: {  	_ =	shalt  }
0x6b: {  	_ =	shalt  }
0x6c: {  	_ =	shalt  }
0x6d: {  	_ =	shalt  }
0x6e: {  	_ =	shalt  }
0x6f: {  	_ =	shalt  }
0x70: {  	_ =	shalt  }
0x71: {  	_ =	shalt  }
0x72: {  	_ =	shalt  }
0x73: {  	_ =	shalt  }
0x74: {  	_ =	shalt  }
0x75: {  	_ =	shalt  }
0x76: {  	_ =	shalt  }
0x77: {  	_ =	shalt  }
0x78: {  	_ =	shalt  }
0x79: {  	_ =	shalt  }
0x7a: {  	_ =	shalt  }
0x7b: {  	_ =	shalt  }
0x7c: {  	_ =	shalt  }
0x7d: {  	_ =	shalt  }
0x7e: {  	_ =	shalt  }
0x7f: {  	_ =	shalt  }
0x80: {  	_ =	shalt  }
0x81: {  	_ =	shalt  }
0x82: {  	_ =	shalt  }
0x83: {  	_ =	shalt  }
0x84: {  	_ =	shalt  }
0x85: {  	_ =	shalt  }
0x86: {  	_ =	shalt  }
0x87: {  	_ =	shalt  }
.Lfunc_end0:
.L_simem_size_0:
called_computation_lowered:
.L_overlay_start_0:
0x88: {  	s2 =	sld [smem:$0x3FD9]  }
0x89: {  	s3 =	sld [smem:$0x3FFE];
	_ =	sdelay $0x1  }
0x8a: {  	s1 =	srdreg.scid  }
0x8b: {  	s0 =	sand.u32 $0x1, s1  }
0x8c: {  	s17 =	sshll.u32 s0, $0xA;
	s2 =	sadd.s32 s3, s2  }
0x8d: {  	s2 =	sadd.s32 s2, s17  }
0x8e: {  	[smem:$0x3FC6] =	sst s2  }
0x8f: {  	_ = 	snop  }
0x90: {  	s2 =	sld [smem:$0x3FD0];
	(tm) =	ssettm $0x1  }
0x91: {  	s18 =	sld [smem:$0x3FFB];
	_ =	sdelay $0x3  }
0x92: {  	_ =	strace s18  }
0x93: {  	s3 =	sld [smem:$0x3FFC];
	_ =	sdelay $0x3  }
0x94: {  	_ =	strace s3  }
0x95: {  	s3 =	sld [smem:$0x3FFD];
	_ =	sdelay $0x3  }
0x96: {  	_ =	strace s3  }
0x97: {  	_ =	strace $0x8FFFFFFF  }
0x98: {  	s19 =	sld [smem:$0x3FDB];
	_ =	sdelay $0x1  }
0x99: {  	s4 =	simm.s32 $_scs_section_size  }
0x9a: {  	s5 =	simm.s32 $_size__tile_overlayer_lowered;
	s6 =	simm.s32 $_tile_overlayer_lowered  }
0x9b: {  	s22 =	simm.s32 $0x1BFF;
	s21 =	sshll.u32 s6, $0x1;
	s3 =	sadd.s32 s4, s19  }
0x9c: {  	s7 =	simm.s32 $0x0;
	s20 =	sshll.u32 s5, $0x1;
	s5 =	sadd.s32 s21, s3  }
0x9d: {  	[timem:s7], [sflag:s22] =	dma.local [hbm:s5], s20  }
0x9e: {  	_ =	swait.ge [sflag:s22], s20  }
0x9f: {  	s4 =	ssub.s32 $0x0, s20;
	[sflag:s22] =	ssyncset.done $0x0  }
0xa0: {  	[sflag:s22] =	ssyncadd.s32 s4;
	_ =	sdelay $0x1  }
0xa1: {  	s23 =	simm.s32 $0x1B8B  }
0xa2: {  	_ =	swait.ge [sflag:s23], $0x1  }
0xa3: {  	[sflag:s23] =	ssyncset.done $0x0  }
0xa4: {  	s25 =	simm.s32 $0x1B8E;
	s24 =	sld [smem:$0x3FFE];
	[sflag:s23] =	ssyncadd.s32 $0xFFFFFFFF  }
0xa5: {  	s26 =	simm.s32 $execute0_lowered;
	[smem:$0x3FD2] =	sst s25  }
0xa6: {  	s5 =	sshll.u32 s26, $0x1;
	_ =	strace $0x80000046;
	[dreg:$0x1] =	wrdreg $0xFFFFFFFF  }
0xa7: {  	s28 =	simm.s32 $_size_execute0_lowered;
	s3 =	sadd.s32 s3, s5;
	[dreg:$0x0] =	wrdreg $0x0  }
0xa8: {  	s5 =	sshll.u32 s28, $0x1;
	[dreg:$0x2] =	wrdreg s3  }
0xa9: {  	[dreg:$0x3] =	wrdreg s5  }
0xaa: {  	[dreg:$0x4] =	wrdreg $0xC0  }
0xab: {  	_ =	task [dreg:s7], $0x5FFFF  }
0xac: {  	[dreg:$0x1] =	wrdreg $0xFFFFFFFF  }
0xad: {  	[dreg:$0x0] =	wrdreg $0x60  }
0xae: {  	[dreg:$0x2] =	wrdreg s24  }
0xaf: {  	[dreg:$0x3] =	wrdreg s2  }
0xb0: {  	[dreg:$0x4] =	wrdreg $0x9  }
0xb1: {  	_ =	task.clear_ibuf [dreg:s7], $0x5FFFF;
	_ =	strace $0x90000046  }
0xb2: {  	s29 =	simm.s32 $0x9;
	_ =	strace $0x80000048  }
0xb3: {  	_ =	swait.ge [sflag:s29], $0x1  }
0xb4: {  	[sflag:s29] =	ssyncadd.s32 $0xFFFFFFFF  }
0xb5: {  	_ =	strace $0x90000048  }
0xb6: {  	_ =	sfence  }
0xb7: {  	s30 =	sld [smem:$0x0];
	_ =	sdelay $0x2  }
0xb8: {  	s31 =	sshll.u32 s1, $0xD;
	s1 =	sshrl.u32 s1, $0x2  }
0xb9: {  	s3 =	sand.u32 $0x4000, s31;
	s1 =	sadd.s32 s1, s30  }
0xba: {  	s0 =	sor.u32 s3, s0;
	s1 =	sshll.u32 s1, $0x11  }
0xbb: {  	s0 =	sor.u32 s1, s0  }
0xbc: {  	s0 =	sadd.s32 $0x8F2B, s0  }
0xbd: {  	[sflag:s0] =	ssyncadd.remote.s32 $0x1  }
0xbe: {  	_ =	sfence.sel $0xFFFF  }
0xbf: {  	[dreg:$0x0] =	wrdreg $0xFFFFFFFF;
	(pc) =	sbr.abs _section_cstart, $3  }
0xc0: {  	[dreg:$0x1] =	wrdreg $0xFFFFFFFF  }
0xc1: {  	_ =	task.clear_ibuf [dreg:s7], $0x2FFFF;
	_ =	strace $0x9FFFFFFF  }
0xc2: {  	(tm) =	ssettm $0x7FFFFFFF  }
0xc3: {  	_ =	shalt  }
tec
execute0_lowered:
.L_overlay_start_1:
0x0: {  	(tag) =	ssettag $0x1  }
0x1: {  	s1 =	srdreg.scid;
	s0 =	stileid.u32  }
0x2: {  	s10 =	rddreg [dreg:$0x0];
	s26 =	sand.u32 $0x1, s1;
	s31 =	sshll.u32 s0, $0x1  }
0x3: {  	s3 =	rddreg [dreg:$0x1];
	s8 =	sor.u32 s26, s31  }
0x4: {  	s2 =	simm.s32 $0x0;
	s1 =	rddreg [dreg:$0x2];
	s4 =	smul.u32 $0xC80, s8  }
0x5: {  	[smem:$0x7FF] =	sst s2  }
0x6: {  	_ =	strace $0x80000047;
	s3 =	sadd.s32 s3, s4;
	s4 =	simm.s32 $0x5  }
0x7: {  	[tilespmem:s2], [sflag:$0x5] =	stream.linear.gather [hbm4b:s3+s2], $0x6400, $0x38;
	[tilespmem:$0x1F400] =	vst v63  }
0x8: {  	_ =	swait.ge [sflag:s4], $0x6400  }
0x9: {  	s6 =	simm.s32 $0xC80;
	[sflag:s4] =	ssyncset.done $0x0  }
0xa: {  	s7 =	simm.s32 $0x6400;
	s5 =	sadd.s32 $0x400, s10;
	[sflag:s4] =	ssyncadd.s32 $0xFFFF9C00  }
0xb: {  	[tilespmem:s7], [sflag:$0x1] =	stream.indirect.gather [hbm4b:s5+s6], $0x10, s2, s6, $0xb8;
	[tilespmem:$0x1F400] =	vst v63  }
0xc: {  	s9 =	simm.s32 $0x1;
	s11 =	smul.u32 $0xC800, s8;
	s8 =	simm.s32 $0x12C00  }
0xd: {  	[tilespmem:s8], [sflag:$0x2] =	stream.indirect.gather [hbm4b:s5+s6], $0x10, s6, s6, $0xb8;
	[tilespmem:$0x1F400] =	vst v63  }
0xe: {  	_ =	swait.ge [sflag:s9], $0xC800  }
0xf: {  	s28 =	sadd.s32 s11, s10;
	[sflag:s9] =	ssyncset.done $0x0  }
0x10: {  	s11 =	simm.s32 $0x3;
	s10 =	sadd.s32 $0x1E8A00, s28;
	[sflag:s9] =	ssyncadd.s32 $0xFFFF3800  }
0x11: {  	[hbm4b:s10+s2] =	stream.linear.scatter [tilespmem:s7], [sflag:$0x3], $0xC800, $0x38;
	[tilespmem:$0x1F400] =	vst v63  }
0x12: {  	_ =	swait.ge [sflag:s11], $0xC800  }
0x13: {  	[sflag:s11] =	ssyncset.done $0x0  }
0x14: {  	s12 =	simm.s32 $0x1900;
	s13 =	simm.s32 $0x2;
	[sflag:s11] =	ssyncadd.s32 $0xFFFF3800  }
0x15: {  	[tilespmem:s7], [sflag:$0x1] =	stream.indirect.gather [hbm4b:s5+s6], $0x10, s12, s6, $0xb8;
	[tilespmem:$0x1F400] =	vst v63  }
0x16: {  	_ =	swait.ge [sflag:s13], $0xC800  }
0x17: {  	[sflag:s13] =	ssyncset.done $0x0  }
0x18: {  	s14 =	simm.s32 $0x4;
	s15 =	sadd.s32 $0x1EA300, s28;
	[sflag:s13] =	ssyncadd.s32 $0xFFFF3800  }
0x19: {  	[hbm4b:s15+s2] =	stream.linear.scatter [tilespmem:s8], [sflag:$0x4], $0xC800, $0x38;
	[tilespmem:$0x1F400] =	vst v63  }
0x1a: {  	_ =	swait.ge [sflag:s14], $0xC800  }
0x1b: {  	[sflag:s14] =	ssyncset.done $0x0  }
0x1c: {  	s16 =	simm.s32 $0x2580;
	[sflag:s14] =	ssyncadd.s32 $0xFFFF3800  }
0x1d: {  	[tilespmem:s8], [sflag:$0x2] =	stream.indirect.gather [hbm4b:s5+s6], $0x10, s16, s6, $0xb8;
	[tilespmem:$0x1F400] =	vst v63  }
0x1e: {  	_ =	swait.ge [sflag:s9], $0xC800  }
0x1f: {  	[sflag:s9] =	ssyncset.done $0x0  }
0x20: {  	s17 =	sadd.s32 $0x1EBC00, s28;
	[sflag:s9] =	ssyncadd.s32 $0xFFFF3800  }
0x21: {  	[hbm4b:s17+s2] =	stream.linear.scatter [tilespmem:s7], [sflag:$0x3], $0xC800, $0x38;
	[tilespmem:$0x1F400] =	vst v63  }
0x22: {  	_ =	swait.ge [sflag:s11], $0xC800  }
0x23: {  	[sflag:s11] =	ssyncset.done $0x0  }
0x24: {  	s18 =	simm.s32 $0x3200;
	[sflag:s11] =	ssyncadd.s32 $0xFFFF3800  }
0x25: {  	[tilespmem:s7], [sflag:$0x1] =	stream.indirect.gather [hbm4b:s5+s6], $0x10, s18, s6, $0xb8;
	[tilespmem:$0x1F400] =	vst v63  }
0x26: {  	_ =	swait.ge [sflag:s13], $0xC800  }
0x27: {  	[sflag:s13] =	ssyncset.done $0x0  }
0x28: {  	s19 =	sadd.s32 $0x1ED500, s28;
	[sflag:s13] =	ssyncadd.s32 $0xFFFF3800  }
0x29: {  	[hbm4b:s19+s2] =	stream.linear.scatter [tilespmem:s8], [sflag:$0x4], $0xC800, $0x38;
	[tilespmem:$0x1F400] =	vst v63  }
0x2a: {  	_ =	swait.ge [sflag:s14], $0xC800  }
0x2b: {  	[sflag:s14] =	ssyncset.done $0x0  }
0x2c: {  	s20 =	simm.s32 $0x3E80;
	[sflag:s14] =	ssyncadd.s32 $0xFFFF3800  }
0x2d: {  	[tilespmem:s8], [sflag:$0x2] =	stream.indirect.gather [hbm4b:s5+s6], $0x10, s20, s6, $0xb8;
	[tilespmem:$0x1F400] =	vst v63  }
0x2e: {  	_ =	swait.ge [sflag:s9], $0xC800  }
0x2f: {  	[sflag:s9] =	ssyncset.done $0x0  }
0x30: {  	s21 =	sadd.s32 $0x1EEE00, s28;
	[sflag:s9] =	ssyncadd.s32 $0xFFFF3800  }
0x31: {  	[hbm4b:s21+s2] =	stream.linear.scatter [tilespmem:s7], [sflag:$0x3], $0xC800, $0x38;
	[tilespmem:$0x1F400] =	vst v63  }
0x32: {  	_ =	swait.ge [sflag:s11], $0xC800  }
0x33: {  	[sflag:s11] =	ssyncset.done $0x0  }
0x34: {  	s22 =	simm.s32 $0x4B00;
	[sflag:s11] =	ssyncadd.s32 $0xFFFF3800  }
0x35: {  	[tilespmem:s7], [sflag:$0x1] =	stream.indirect.gather [hbm4b:s5+s6], $0x10, s22, s6, $0xb8;
	[tilespmem:$0x1F400] =	vst v63  }
0x36: {  	_ =	swait.ge [sflag:s13], $0xC800  }
0x37: {  	[sflag:s13] =	ssyncset.done $0x0  }
0x38: {  	s23 =	sadd.s32 $0x1F0700, s28;
	[sflag:s13] =	ssyncadd.s32 $0xFFFF3800  }
0x39: {  	[hbm4b:s23+s2] =	stream.linear.scatter [tilespmem:s8], [sflag:$0x4], $0xC800, $0x38;
	[tilespmem:$0x1F400] =	vst v63  }
0x3a: {  	_ =	swait.ge [sflag:s14], $0xC800  }
0x3b: {  	[sflag:s14] =	ssyncset.done $0x0  }
0x3c: {  	s24 =	simm.s32 $0x5780;
	[sflag:s14] =	ssyncadd.s32 $0xFFFF3800  }
0x3d: {  	[tilespmem:s8], [sflag:$0x2] =	stream.indirect.gather [hbm4b:s5+s6], $0x10, s24, s6, $0xb8;
	[tilespmem:$0x1F400] =	vst v63  }
0x3e: {  	_ =	swait.ge [sflag:s9], $0xC800  }
0x3f: {  	[sflag:s9] =	ssyncset.done $0x0  }
0x40: {  	s26 =	ssub.s32 $0x2, s26;
	s25 =	sadd.s32 $0x1F2000, s28;
	[sflag:s9] =	ssyncadd.s32 $0xFFFF3800  }
0x41: {  	[hbm4b:s25+s2] =	stream.linear.scatter [tilespmem:s7], [sflag:$0x3], $0xC800, $0x38;
	[tilespmem:$0x1F400] =	vst v63  }
0x42: {  	s29 =	sshrl.u32 s26, $0x1;
	_ =	swait.ge [sflag:s11], $0xC800  }
0x43: {  	s26 =	ssub.s32 s26, s29;
	[sflag:s11] =	ssyncset.done $0x0  }
0x44: {  	s29 =	smax.u32 s26, $0x1;
	[sflag:s11] =	ssyncadd.s32 $0xFFFF3800  }
0x45: {  	p0 =	sne.s32 s29, $0x1;
	_ =	swait.ge [sflag:s13], $0xC800  }
.Ltmp0:
0x46: {  	[sflag:s13] =	ssyncset.done $0x0;
	(pc) =	sbr.rel @!p0 .LBB2_2-.Ltmp0, $4  }
0x47: {  	s26 =	sadd.s32 $0x1F3900, s28;
	[sflag:s13] =	ssyncadd.s32 $0xFFFF3800  }
0x48: {  	[hbm4b:s26+s2] =	stream.linear.scatter [tilespmem:s8], [sflag:$0x4], $0xC800, $0x38;
	[tilespmem:$0x1F400] =	vst v63  }
0x49: {  	_ =	swait.ge [sflag:s14], $0xC800  }
0x4a: {  	s28 =	sadd.s32 $0xFFFFFFFF, s29;
	[sflag:s14] =	ssyncset.done $0x0  }
.LBB2_1:
0x4b: {  	p0 =	sne.s32 s28, $0x1;
	s28 =	sadd.s32 $0xFFFFFFFF, s28;
	[sflag:s14] =	ssyncadd.s32 $0xFFFF3800  }
0x4c: {  	[tilespmem:s2], [sflag:$0x5] =	stream.linear.gather [hbm4b:s3+s2], $0x6400, $0x38;
	[tilespmem:$0x1F400] =	vst v63  }
0x4d: {  	_ =	swait.ge [sflag:s4], $0x6400  }
0x4e: {  	[sflag:s4] =	ssyncset.done $0x0  }
0x4f: {  	[sflag:s4] =	ssyncadd.s32 $0xFFFF9C00  }
0x50: {  	[tilespmem:s7], [sflag:$0x1] =	stream.indirect.gather [hbm4b:s5+s6], $0x10, s2, s6, $0xb8;
	[tilespmem:$0x1F400] =	vst v63  }
0x51: {  	_ = 	snop  }
0x52: {  	[tilespmem:s8], [sflag:$0x2] =	stream.indirect.gather [hbm4b:s5+s6], $0x10, s6, s6, $0xb8;
	[tilespmem:$0x1F400] =	vst v63  }
0x53: {  	_ =	swait.ge [sflag:s9], $0xC800  }
0x54: {  	[sflag:s9] =	ssyncset.done $0x0  }
0x55: {  	[sflag:s9] =	ssyncadd.s32 $0xFFFF3800  }
0x56: {  	[hbm4b:s10+s2] =	stream.linear.scatter [tilespmem:s7], [sflag:$0x3], $0xC800, $0x38;
	[tilespmem:$0x1F400] =	vst v63  }
0x57: {  	_ =	swait.ge [sflag:s11], $0xC800  }
0x58: {  	[sflag:s11] =	ssyncset.done $0x0  }
0x59: {  	[sflag:s11] =	ssyncadd.s32 $0xFFFF3800  }
0x5a: {  	[tilespmem:s7], [sflag:$0x1] =	stream.indirect.gather [hbm4b:s5+s6], $0x10, s12, s6, $0xb8;
	[tilespmem:$0x1F400] =	vst v63  }
0x5b: {  	_ =	swait.ge [sflag:s13], $0xC800  }
0x5c: {  	[sflag:s13] =	ssyncset.done $0x0  }
0x5d: {  	[sflag:s13] =	ssyncadd.s32 $0xFFFF3800  }
0x5e: {  	[hbm4b:s15+s2] =	stream.linear.scatter [tilespmem:s8], [sflag:$0x4], $0xC800, $0x38;
	[tilespmem:$0x1F400] =	vst v63  }
0x5f: {  	_ =	swait.ge [sflag:s14], $0xC800  }
0x60: {  	[sflag:s14] =	ssyncset.done $0x0  }
0x61: {  	[sflag:s14] =	ssyncadd.s32 $0xFFFF3800  }
0x62: {  	[tilespmem:s8], [sflag:$0x2] =	stream.indirect.gather [hbm4b:s5+s6], $0x10, s16, s6, $0xb8;
	[tilespmem:$0x1F400] =	vst v63  }
0x63: {  	_ =	swait.ge [sflag:s9], $0xC800  }
0x64: {  	[sflag:s9] =	ssyncset.done $0x0  }
0x65: {  	[sflag:s9] =	ssyncadd.s32 $0xFFFF3800  }
0x66: {  	[hbm4b:s17+s2] =	stream.linear.scatter [tilespmem:s7], [sflag:$0x3], $0xC800, $0x38;
	[tilespmem:$0x1F400] =	vst v63  }
0x67: {  	_ =	swait.ge [sflag:s11], $0xC800  }
0x68: {  	[sflag:s11] =	ssyncset.done $0x0  }
0x69: {  	[sflag:s11] =	ssyncadd.s32 $0xFFFF3800  }
0x6a: {  	[tilespmem:s7], [sflag:$0x1] =	stream.indirect.gather [hbm4b:s5+s6], $0x10, s18, s6, $0xb8;
	[tilespmem:$0x1F400] =	vst v63  }
0x6b: {  	_ =	swait.ge [sflag:s13], $0xC800  }
0x6c: {  	[sflag:s13] =	ssyncset.done $0x0  }
0x6d: {  	[sflag:s13] =	ssyncadd.s32 $0xFFFF3800  }
0x6e: {  	[hbm4b:s19+s2] =	stream.linear.scatter [tilespmem:s8], [sflag:$0x4], $0xC800, $0x38;
	[tilespmem:$0x1F400] =	vst v63  }
0x6f: {  	_ =	swait.ge [sflag:s14], $0xC800  }
0x70: {  	[sflag:s14] =	ssyncset.done $0x0  }
0x71: {  	[sflag:s14] =	ssyncadd.s32 $0xFFFF3800  }
0x72: {  	[tilespmem:s8], [sflag:$0x2] =	stream.indirect.gather [hbm4b:s5+s6], $0x10, s20, s6, $0xb8;
	[tilespmem:$0x1F400] =	vst v63  }
0x73: {  	_ =	swait.ge [sflag:s9], $0xC800  }
0x74: {  	[sflag:s9] =	ssyncset.done $0x0  }
0x75: {  	[sflag:s9] =	ssyncadd.s32 $0xFFFF3800  }
0x76: {  	[hbm4b:s21+s2] =	stream.linear.scatter [tilespmem:s7], [sflag:$0x3], $0xC800, $0x38;
	[tilespmem:$0x1F400] =	vst v63  }
0x77: {  	_ =	swait.ge [sflag:s11], $0xC800  }
0x78: {  	[sflag:s11] =	ssyncset.done $0x0  }
0x79: {  	[sflag:s11] =	ssyncadd.s32 $0xFFFF3800  }
0x7a: {  	[tilespmem:s7], [sflag:$0x1] =	stream.indirect.gather [hbm4b:s5+s6], $0x10, s22, s6, $0xb8;
	[tilespmem:$0x1F400] =	vst v63  }
0x7b: {  	_ =	swait.ge [sflag:s13], $0xC800  }
0x7c: {  	[sflag:s13] =	ssyncset.done $0x0  }
0x7d: {  	[sflag:s13] =	ssyncadd.s32 $0xFFFF3800  }
0x7e: {  	[hbm4b:s23+s2] =	stream.linear.scatter [tilespmem:s8], [sflag:$0x4], $0xC800, $0x38;
	[tilespmem:$0x1F400] =	vst v63  }
0x7f: {  	_ =	swait.ge [sflag:s14], $0xC800  }
0x80: {  	[sflag:s14] =	ssyncset.done $0x0  }
0x81: {  	[sflag:s14] =	ssyncadd.s32 $0xFFFF3800  }
0x82: {  	[tilespmem:s8], [sflag:$0x2] =	stream.indirect.gather [hbm4b:s5+s6], $0x10, s24, s6, $0xb8;
	[tilespmem:$0x1F400] =	vst v63  }
0x83: {  	_ =	swait.ge [sflag:s9], $0xC800  }
0x84: {  	[sflag:s9] =	ssyncset.done $0x0  }
0x85: {  	[sflag:s9] =	ssyncadd.s32 $0xFFFF3800  }
0x86: {  	[hbm4b:s25+s2] =	stream.linear.scatter [tilespmem:s7], [sflag:$0x3], $0xC800, $0x38;
	[tilespmem:$0x1F400] =	vst v63  }
0x87: {  	_ =	swait.ge [sflag:s11], $0xC800  }
0x88: {  	[sflag:s11] =	ssyncset.done $0x0  }
0x89: {  	[sflag:s11] =	ssyncadd.s32 $0xFFFF3800  }
0x8a: {  	_ =	swait.ge [sflag:s13], $0xC800  }
.Ltmp1:
0x8b: {  	[sflag:s13] =	ssyncset.done $0x0;
	(pc) =	sbr.rel @p0 .LBB2_1-.Ltmp1, $4  }
0x8c: {  	[sflag:s13] =	ssyncadd.s32 $0xFFFF3800  }
0x8d: {  	[hbm4b:s26+s2] =	stream.linear.scatter [tilespmem:s8], [sflag:$0x4], $0xC800, $0x38;
	[tilespmem:$0x1F400] =	vst v63  }
0x8e: {  	_ =	swait.ge [sflag:s14], $0xC800  }
0x8f: {  	[sflag:s14] =	ssyncset.done $0x0  }
.LBB2_2:
0x90: {  	[sflag:s14] =	ssyncadd.s32 $0xFFFF3800  }
0x91: {  	_ =	sfence.sel $0x180000  }
0x92: {  	[bflag:$0x0] =	sbarrier.arrive $0xFFFF  }
0x93: {  	p0 =	sne.s32 s0, $0x0;
	_ =	strace $0x90000047  }
0x94: {  	s0 =	sadd.s32 @!p0 $0x100000, s1;
	[bflag:$0x2] =	sbarrier.arrive $0xFFFF  }
0x95: {  	[sflag:s0] =	ssyncadd.tile.s32 @!p0 $0x1;
	_ =	shalt  }
.Lfunc_end2:
_tile_overlayer_lowered:
.L_overlay_start_2:
0x96: {  	(tag) =	ssettag $0x2  }
0x97: {  	s0 =	rddreg [dreg:$0x0];
	s2 =	stileid.u32  }
0x98: {  	s1 =	rddreg [dreg:$0x1];
	p0 =	sne.s32 s2, $0x0  }
0x99: {  	s3 =	rddreg [dreg:$0x2];
	[bflag:$0x3] =	sbarrier.arrive $0xFFFF;
	s2 =	simm.s32 @!p0 $0x1C05  }
0x9a: {  	[timem:s3], [sflag:s2] =	dma.local @!p0 [hbm:s0], s1  }
0x9b: {  	s0 =	simm.s32 @!p0 $0x5  }
0x9c: {  	_ =	swait.ge @!p0 [sflag:s0], s1  }
0x9d: {  	s1 =	ssub.s32 @!p0 $0x0, s1;
	[sflag:s0] =	ssyncset.done @!p0 $0x0  }
0x9e: {  	[sflag:s0] =	ssyncadd.s32 @!p0 s1  }
0x9f: {  	[bflag:$0x3] =	sbarrier.arrive $0xFFFF  }
0xa0: {  	_ =	shalt  }

</sc_bundles>
